<compile_context>
chip_gen: v7x
topology: tpu7x:2x2x1
jax: 0.10.2.dev20260603
libtpu: 0.0.44.dev20260713+nightly
codegen_flags: <defaults>
</compile_context>

<pallas_src>
import jax
import jax.numpy as jnp
from jax import lax
from jax.experimental import pallas as pl
from jax.experimental.pallas import tpu as pltpu
from jax.experimental.pallas import tpu_sc as plsc

N = 10000
D = 128
E = 320000
NC = 2
NS = 16
L = 16

B = 128
EPT = E // (NC * NS)
NBLK = EPT // B
TAIL = EPT - NBLK * B
NPAIR = NBLK // 2 - 1

ACC_ROWS = 10240
ZCH = 16
ZITER = ACC_ROWS // NS // ZCH
NOCHUNK = N // ZCH
OUT_ITERS = (NOCHUNK + NS - 1) // NS


def _sc_body(x_hbm, row_hbm, col_hbm, part_hbm,
             acc, zbuf, row_all, col_b0, col_b1, col_tail,
             rows_v0, rows_v1, rows_tail,
             sem_c0, sem_c1, sem_g0, sem_g1, sem_t):
    c = lax.axis_index("c")
    s = lax.axis_index("s")
    wbase = (c * NS + s) * EPT

    def zero_zbuf(k, _):
        r = k // (D // L)
        cc = (k % (D // L)) * L
        zbuf[r, pl.ds(cc, L)] = jnp.zeros((L,), jnp.float32)
        return 0
    lax.fori_loop(0, ZCH * (D // L), zero_zbuf, 0)

    def zero_acc(k, _):
        pltpu.sync_copy(zbuf, acc.at[pl.ds((s * ZITER + k) * ZCH, ZCH)])
        return 0
    lax.fori_loop(0, ZITER, zero_acc, 0)

    pltpu.sync_copy(row_hbm.at[pl.ds(wbase, EPT)], row_all)

    plsc.subcore_barrier()

    def start_col(j, col_b, sem):
        pltpu.async_copy(col_hbm.at[pl.ds(wbase + j * B, B)], col_b, sem)

    def wait_col(j, col_b, sem):
        pltpu.make_async_copy(col_hbm.at[pl.ds(wbase + j * B, B)], col_b,
                              sem).wait()

    def start_gather(j, rows_v, sem):
        pltpu.async_copy(x_hbm.at[row_all.at[pl.ds(j * B, B)]], rows_v, sem)

    def wait_gather(j, rows_v, sem):
        pltpu.make_async_copy(x_hbm.at[row_all.at[pl.ds(j * B, B)]], rows_v,
                              sem).wait()

    start_col(0, col_b0, sem_c0)
    start_gather(0, rows_v0, sem_g0)
    start_col(1, col_b1, sem_c1)
    start_gather(1, rows_v1, sem_g1)

    def pair(i, _):
        j0 = 2 * i
        wait_col(j0, col_b0, sem_c0)
        wait_gather(j0, rows_v0, sem_g0)
        pltpu.sync_copy(rows_v0, acc.at[col_b0], add=True)
        start_col(j0 + 2, col_b0, sem_c0)
        start_gather(j0 + 2, rows_v0, sem_g0)

        wait_col(j0 + 1, col_b1, sem_c1)
        wait_gather(j0 + 1, rows_v1, sem_g1)
        pltpu.sync_copy(rows_v1, acc.at[col_b1], add=True)
        start_col(j0 + 3, col_b1, sem_c1)
        start_gather(j0 + 3, rows_v1, sem_g1)
        return 0
    lax.fori_loop(0, NPAIR, pair, 0)

    wait_col(NBLK - 2, col_b0, sem_c0)
    wait_gather(NBLK - 2, rows_v0, sem_g0)
    pltpu.sync_copy(rows_v0, acc.at[col_b0], add=True)
    wait_col(NBLK - 1, col_b1, sem_c1)
    wait_gather(NBLK - 1, rows_v1, sem_g1)
    pltpu.sync_copy(rows_v1, acc.at[col_b1], add=True)

    tbase = wbase + NBLK * B
    pltpu.sync_copy(col_hbm.at[pl.ds(tbase, TAIL)], col_tail)
    pltpu.async_copy(x_hbm.at[row_all.at[pl.ds(NBLK * B, TAIL)]],
                     rows_tail, sem_t).wait()
    pltpu.sync_copy(rows_tail, acc.at[col_tail], add=True)

    plsc.subcore_barrier()

    def out_chunk(i, _):
        ch = s + i * NS

        @pl.when(ch < NOCHUNK)
        def _():
            r = ch * ZCH
            pltpu.sync_copy(acc.at[pl.ds(r, ZCH)],
                            part_hbm.at[c, pl.ds(r, ZCH)])
        return 0
    lax.fori_loop(0, OUT_ITERS, out_chunk, 0)


def _add_body(a_ref, b_ref, o_ref):
    o_ref[...] = a_ref[...] + b_ref[...]


@jax.jit
def kernel(x, edge_index):
    row = edge_index[0]
    col = edge_index[1]
    mesh = plsc.VectorSubcoreMesh(core_axis_name="c", subcore_axis_name="s",
                                  num_cores=NC, num_subcores=NS)
    sc = pl.kernel(
        _sc_body,
        out_type=jax.ShapeDtypeStruct((NC, N, D), jnp.float32),
        mesh=mesh,
        scratch_types=[
            pltpu.VMEM_SHARED((ACC_ROWS, D), jnp.float32),
            pltpu.VMEM((ZCH, D), jnp.float32),
            pltpu.VMEM((EPT,), jnp.int32),
            pltpu.VMEM((B,), jnp.int32),
            pltpu.VMEM((B,), jnp.int32),
            pltpu.VMEM((TAIL,), jnp.int32),
            pltpu.VMEM((B, D), jnp.float32),
            pltpu.VMEM((B, D), jnp.float32),
            pltpu.VMEM((TAIL, D), jnp.float32),
            pltpu.SemaphoreType.DMA,
            pltpu.SemaphoreType.DMA,
            pltpu.SemaphoreType.DMA,
            pltpu.SemaphoreType.DMA,
            pltpu.SemaphoreType.DMA,
        ],
    )
    part = sc(x, row, col)

    grid = 10
    out = pl.pallas_call(
        _add_body,
        out_shape=jax.ShapeDtypeStruct((N, D), jnp.float32),
        grid=(grid,),
        in_specs=[
            pl.BlockSpec((N // grid, D), lambda i: (i, 0)),
            pl.BlockSpec((N // grid, D), lambda i: (i, 0)),
        ],
        out_specs=pl.BlockSpec((N // grid, D), lambda i: (i, 0)),
    )(part[0], part[1])
    return out

# --- scband reference (transcript-rebuilt; emitter-appended) ---
"""Pipeline reference for scband-message-passing-32796370273059 (READ-ONLY COPY).

The authoritative reference and input builder live on the scoring server;
editing this copy changes nothing except your own understanding.
"""

import jax, jax.numpy as jnp
import numpy as np


def setup_inputs(seed: int = 0) -> dict:
    key = jax.random.key(seed)
    k1, k2 = jax.random.split(key)
    x = jax.random.normal(k1, (10000, 128), dtype=jnp.float32)
    edge_index = jax.random.randint(k2, (2, 320000), 0, 10000, dtype=jnp.int64 if jax.config.jax_enable_x64 else jnp.int32).astype(jnp.int32)
    return {"x": x, "edge_index": edge_index}


def reference(x, edge_index):
    # MessagePassing with aggr='add', flow='source_to_target':
    # row = source, col = target; message(x_j) = x_j; aggregate = scatter_add;
    # update(aggr_out, x) = aggr_out
    row = edge_index[0]
    col = edge_index[1]
    x_j = jnp.take(x, row, axis=0)          # gather source node features [E, d]
    messages = x_j                            # message() is identity on x_j
    num_nodes = x.shape[0]
    out = jax.ops.segment_sum(messages, col, num_segments=num_nodes)  # scatter-add by target
    return out

if __name__ == "__main__":
    import jax
    _d = setup_inputs()
    print(jax.jit(kernel)(*tuple(_d.values())))

</pallas_src>

<mosaic_0001>
#map = affine_map<(d0, d1) -> (0, 0)>
#map1 = affine_map<(d0, d1) -> (0)>
#map2 = affine_map<(d0, d1) -> (0, 0, 0)>
module attributes {stable_mosaic.version = 14 : i64} {
  func.func @_sc_body(%arg0: i32, %arg1: i32, %arg2: memref<10000x128xf32, #tpu.memory_space<hbm>>, %arg3: memref<320000xi32, #tpu.memory_space<hbm>>, %arg4: memref<320000xi32, #tpu.memory_space<hbm>>, %arg5: memref<2x10000x128xf32, #tpu.memory_space<hbm>>, %arg6: memref<10240x128xf32, #tpu.memory_space<vmem_shared>>, %arg7: memref<16x128xf32, #tpu.memory_space<vmem>>, %arg8: memref<10000xi32, #tpu.memory_space<vmem>>, %arg9: memref<128xi32, #tpu.memory_space<vmem>>, %arg10: memref<128xi32, #tpu.memory_space<vmem>>, %arg11: memref<16xi32, #tpu.memory_space<vmem>>, %arg12: memref<128x128xf32, #tpu.memory_space<vmem>>, %arg13: memref<128x128xf32, #tpu.memory_space<vmem>>, %arg14: memref<16x128xf32, #tpu.memory_space<vmem>>, %arg15: memref<!tpu.dma_semaphore, #tpu.memory_space<semaphore_mem>>, %arg16: memref<!tpu.dma_semaphore, #tpu.memory_space<semaphore_mem>>, %arg17: memref<!tpu.dma_semaphore, #tpu.memory_space<semaphore_mem>>, %arg18: memref<!tpu.dma_semaphore, #tpu.memory_space<semaphore_mem>>, %arg19: memref<!tpu.dma_semaphore, #tpu.memory_space<semaphore_mem>>) attributes {dimension_semantics = [#tpu.dimension_semantics<core_parallel>, #tpu.dimension_semantics<subcore_parallel>], iteration_bounds = array<i64: 2, 16>, scalar_prefetch = 0 : i64, scratch_operands = 14 : i64, tpu.core_type = #tpu.core_type<sc_vector_subcore>, window_params = [{transform_indices = #map}, {transform_indices = #map1}, {transform_indices = #map1}, {transform_indices = #map2}]} {
    %mul3A = arith.constant 16 : i32
    %mul3A_0 = arith.muli %arg0, %mul3A : i32
    %add3A = arith.addi %mul3A_0, %arg1 : i32
    %mul3A_1 = arith.constant 10000 : i32
    %mul3A_2 = arith.muli %add3A, %mul3A_1 : i32
    %scan3A = arith.constant 0 : i32
    %scan3A_3 = arith.constant 0 : i32
    %scan3A_4 = arith.constant 128 : i32
    %scan3A_5 = arith.addi %scan3A_3, %scan3A_4 : i32
    %scan3A_6 = arith.constant 1 : i32
    %scan3A_7 = scf.for %scan3A_77 = %scan3A_3 to %scan3A_5 step %scan3A_6 iter_args(%scan3A_78 = %scan3A) -> (i32)  : i32 {
      %jit3A = arith.constant 8 : i32
      %div3A = arith.divsi %scan3A_77, %jit3A : i32
      %sign3A = arith.constant 0 : i32
      %sign3A_79 = arith.cmpi sgt, %scan3A_77, %sign3A : i32
      %sign3A_80 = arith.extui %sign3A_79 : i1 to i32
      %sign3A_81 = arith.constant 0 : i32
      %sign3A_82 = arith.cmpi slt, %scan3A_77, %sign3A_81 : i32
      %sign3A_83 = arith.extui %sign3A_82 : i1 to i32
      %sign3A_84 = arith.subi %sign3A_80, %sign3A_83 : i32
      %sign3A_85 = arith.constant 0 : i32
      %sign3A_86 = arith.cmpi sgt, %jit3A, %sign3A_85 : i32
      %sign3A_87 = arith.extui %sign3A_86 : i1 to i32
      %sign3A_88 = arith.constant 0 : i32
      %sign3A_89 = arith.cmpi slt, %jit3A, %sign3A_88 : i32
      %sign3A_90 = arith.extui %sign3A_89 : i1 to i32
      %sign3A_91 = arith.subi %sign3A_87, %sign3A_90 : i32
      %ne3A = arith.cmpi ne, %sign3A_84, %sign3A_91 : i32
      %rem3A = arith.remsi %scan3A_77, %jit3A : i32
      %ne3A_92 = arith.constant 0 : i32
      %ne3A_93 = arith.cmpi ne, %rem3A, %ne3A_92 : i32
      %and3A = arith.andi %ne3A, %ne3A_93 : i1
      %sub3A = arith.constant 1 : i32
      %sub3A_94 = arith.subi %div3A, %sub3A : i32
      %select_n3A = arith.select %and3A, %sub3A_94, %div3A : i32
      %jit3A_95 = arith.constant 8 : i32
      %eq3A = arith.constant 0 : i32
      %eq3A_96 = arith.cmpi eq, %jit3A_95, %eq3A : i32
      %jit3A_97 = arith.constant 1 : i32
      %select_n3A_98 = arith.select %eq3A_96, %jit3A_97, %jit3A_95 : i32
      %rem3A_99 = arith.remsi %scan3A_77, %select_n3A_98 : i32
      %ne3A_100 = arith.constant 0 : i32
      %ne3A_101 = arith.cmpi ne, %rem3A_99, %ne3A_100 : i32
      %lt3A = arith.constant 0 : i32
      %lt3A_102 = arith.cmpi slt, %rem3A_99, %lt3A : i32
      %lt3A_103 = arith.constant 0 : i32
      %lt3A_104 = arith.cmpi slt, %select_n3A_98, %lt3A_103 : i32
      %ne3A_105 = arith.xori %lt3A_102, %lt3A_104 : i1
      %and3A_106 = arith.andi %ne3A_105, %ne3A_101 : i1
      %add3A_107 = arith.addi %rem3A_99, %select_n3A_98 : i32
      %select_n3A_108 = arith.select %and3A_106, %add3A_107, %rem3A_99 : i32
      %mul3A_109 = arith.constant 16 : i32
      %mul3A_110 = arith.muli %select_n3A_108, %mul3A_109 : i32
      %broadcast_in_dim3A = arith.constant 0.000000e+00 : f32
      %broadcast_in_dim3A_111 = vector.broadcast %broadcast_in_dim3A : f32 to vector<16xf32>
      %swap3A = arith.index_cast %select_n3A : i32 to index
      %swap3A_112 = arith.index_cast %mul3A_110 : i32 to index
      %swap3A_113 = tpu.vector_load %arg7[%swap3A, %swap3A_112] {strides = array<i32>} : memref<16x128xf32, #tpu.memory_space<vmem>>, vector<1x16xf32>,
      %swap3A_114 = vector.shape_cast %swap3A_113 : vector<1x16xf32> to vector<16xf32>
      %swap3A_115 = vector.shape_cast %broadcast_in_dim3A_111 : vector<16xf32> to vector<1x16xf32>
      tpu.vector_store %arg7[%swap3A, %swap3A_112], %swap3A_115 {strides = array<i32>} : memref<16x128xf32, #tpu.memory_space<vmem>>, vector<1x16xf32>,
      %scan3A_116 = arith.constant 0 : i32
      scf.yield %scan3A_116 : i32
    }
    %scan3A_8 = arith.constant 128 : i32
    %scan3A_9 = arith.constant 0 : i32
    %scan3A_10 = arith.constant 0 : i32
    %scan3A_11 = arith.constant 40 : i32
    %scan3A_12 = arith.addi %scan3A_10, %scan3A_11 : i32
    %scan3A_13 = arith.constant 1 : i32
    %scan3A_14 = scf.for %scan3A_77 = %scan3A_10 to %scan3A_12 step %scan3A_13 iter_args(%scan3A_78 = %scan3A_9) -> (i32)  : i32 {
      %mul3A_79 = arith.constant 40 : i32
      %mul3A_80 = arith.muli %arg1, %mul3A_79 : i32
      %add3A_81 = arith.addi %mul3A_80, %scan3A_77 : i32
      %mul3A_82 = arith.constant 16 : i32
      %mul3A_83 = arith.muli %add3A_81, %mul3A_82 : i32
      "tpu.region"() ({
        %run_scoped3A = tpu.sem_alloc : memref<!tpu.dma_semaphore, #tpu.memory_space<semaphore_mem>>
        %dma_start3A_85 = arith.constant 0 : i32
        %dma_start3A_86 = tpu.memref_slice %arg6[%mul3A_83, %dma_start3A_85] : memref<10240x128xf32, #tpu.memory_space<vmem_shared>> -> memref<16x128xf32, #tpu.memory_space<vmem_shared>>
        %dma_start3A_87 = arith.constant 0 : i32
        %dma_start3A_88 = tpu.memref_slice %arg6[%mul3A_83, %dma_start3A_87] : memref<10240x128xf32, #tpu.memory_space<vmem_shared>> -> memref<16x128xf32, #tpu.memory_space<vmem_shared>>
        tpu.enqueue_dma source(%arg7 : memref<16x128xf32, #tpu.memory_space<vmem>>) target(%dma_start3A_88 : memref<16x128xf32, #tpu.memory_space<vmem_shared>>) target_semaphore(%run_scoped3A : memref<!tpu.dma_semaphore, #tpu.memory_space<semaphore_mem>>)
        %dma_wait3A_89 = arith.constant 0 : i32
        %dma_wait3A_90 = tpu.memref_slice %arg6[%mul3A_83, %dma_wait3A_89] : memref<10240x128xf32, #tpu.memory_space<vmem_shared>> -> memref<16x128xf32, #tpu.memory_space<vmem_shared>>
        %dma_wait3A_91 = arith.constant 0 : i32
        %dma_wait3A_92 = tpu.memref_slice %arg6[%mul3A_83, %dma_wait3A_91] : memref<10240x128xf32, #tpu.memory_space<vmem_shared>> -> memref<16x128xf32, #tpu.memory_space<vmem_shared>>
        tpu.wait_dma2 semaphore(%run_scoped3A : memref<!tpu.dma_semaphore, #tpu.memory_space<semaphore_mem>>) src(%arg7 : memref<16x128xf32, #tpu.memory_space<vmem>>) dst(%dma_wait3A_92 : memref<16x128xf32, #tpu.memory_space<vmem_shared>>)
        tpu.yield
      }) : () -> ()
      %scan3A_84 = arith.constant 0 : i32
      scf.yield %scan3A_84 : i32
    }
    %scan3A_15 = arith.constant 40 : i32
    "tpu.region"() ({
      %run_scoped3A = tpu.sem_alloc : memref<!tpu.dma_semaphore, #tpu.memory_space<semaphore_mem>>
      %dma_start3A_77 = tpu.memref_slice %arg3[%mul3A_2] : memref<320000xi32, #tpu.memory_space<hbm>> -> memref<10000xi32, #tpu.memory_space<hbm>>
      %dma_start3A_78 = tpu.memref_slice %arg3[%mul3A_2] : memref<320000xi32, #tpu.memory_space<hbm>> -> memref<10000xi32, #tpu.memory_space<hbm>>
      tpu.enqueue_dma source(%dma_start3A_78 : memref<10000xi32, #tpu.memory_space<hbm>>) target(%arg8 : memref<10000xi32, #tpu.memory_space<vmem>>) target_semaphore(%run_scoped3A : memref<!tpu.dma_semaphore, #tpu.memory_space<semaphore_mem>>)
      %dma_wait3A_79 = tpu.memref_slice %arg3[%mul3A_2] : memref<320000xi32, #tpu.memory_space<hbm>> -> memref<10000xi32, #tpu.memory_space<hbm>>
      %dma_wait3A_80 = tpu.memref_slice %arg3[%mul3A_2] : memref<320000xi32, #tpu.memory_space<hbm>> -> memref<10000xi32, #tpu.memory_space<hbm>>
      tpu.wait_dma2 semaphore(%run_scoped3A : memref<!tpu.dma_semaphore, #tpu.memory_space<semaphore_mem>>) src(%dma_wait3A_80 : memref<10000xi32, #tpu.memory_space<hbm>>) dst(%arg8 : memref<10000xi32, #tpu.memory_space<vmem>>)
      tpu.yield
    }) : () -> ()
    %barrier3A = arith.constant 0 : index
    tpu.barrier barrier_id(%barrier3A)
    %add3A_16 = arith.constant 0 : i32
    %add3A_17 = arith.addi %mul3A_2, %add3A_16 : i32
    %dma_start3A = tpu.memref_slice %arg4[%add3A_17] : memref<320000xi32, #tpu.memory_space<hbm>> -> memref<128xi32, #tpu.memory_space<hbm>>
    %dma_start3A_18 = tpu.memref_slice %arg4[%add3A_17] : memref<320000xi32, #tpu.memory_space<hbm>> -> memref<128xi32, #tpu.memory_space<hbm>>
    tpu.enqueue_dma source(%dma_start3A_18 : memref<128xi32, #tpu.memory_space<hbm>>) target(%arg9 : memref<128xi32, #tpu.memory_space<vmem>>) target_semaphore(%arg15 : memref<!tpu.dma_semaphore, #tpu.memory_space<semaphore_mem>>)
    %dma_start3A_19 = arith.constant 0 : i32
    %dma_start3A_20 = tpu.memref_slice %arg8[%dma_start3A_19] : memref<10000xi32, #tpu.memory_space<vmem>> -> memref<128xi32, #tpu.memory_space<vmem>>
    %dma_start3A_21 = arith.constant 0 : i32
    %dma_start3A_22 = arith.constant 0 : i32
    %dma_start3A_23 = tpu.memref_slice %arg2[%dma_start3A_21, %dma_start3A_22] : memref<10000x128xf32, #tpu.memory_space<hbm>> -> memref<10000x128xf32, #tpu.memory_space<hbm>>
    tpu.enqueue_indirect_dma source(%dma_start3A_23 : memref<10000x128xf32, #tpu.memory_space<hbm>>) target(%arg12 : memref<128x128xf32, #tpu.memory_space<vmem>>) offsets(%dma_start3A_20 : memref<128xi32, #tpu.memory_space<vmem>>) semaphore(%arg17 : memref<!tpu.dma_semaphore, #tpu.memory_space<semaphore_mem>>)
    %add3A_24 = arith.constant 128 : i32
    %add3A_25 = arith.addi %mul3A_2, %add3A_24 : i32
    %dma_start3A_26 = tpu.memref_slice %arg4[%add3A_25] : memref<320000xi32, #tpu.memory_space<hbm>> -> memref<128xi32, #tpu.memory_space<hbm>>
    %dma_start3A_27 = tpu.memref_slice %arg4[%add3A_25] : memref<320000xi32, #tpu.memory_space<hbm>> -> memref<128xi32, #tpu.memory_space<hbm>>
    tpu.enqueue_dma source(%dma_start3A_27 : memref<128xi32, #tpu.memory_space<hbm>>) target(%arg10 : memref<128xi32, #tpu.memory_space<vmem>>) target_semaphore(%arg16 : memref<!tpu.dma_semaphore, #tpu.memory_space<semaphore_mem>>)
    %dma_start3A_28 = arith.constant 128 : i32
    %dma_start3A_29 = tpu.memref_slice %arg8[%dma_start3A_28] : memref<10000xi32, #tpu.memory_space<vmem>> -> memref<128xi32, #tpu.memory_space<vmem>>
    %dma_start3A_30 = arith.constant 0 : i32
    %dma_start3A_31 = arith.constant 0 : i32
    %dma_start3A_32 = tpu.memref_slice %arg2[%dma_start3A_30, %dma_start3A_31] : memref<10000x128xf32, #tpu.memory_space<hbm>> -> memref<10000x128xf32, #tpu.memory_space<hbm>>
    tpu.enqueue_indirect_dma source(%dma_start3A_32 : memref<10000x128xf32, #tpu.memory_space<hbm>>) target(%arg13 : memref<128x128xf32, #tpu.memory_space<vmem>>) offsets(%dma_start3A_29 : memref<128xi32, #tpu.memory_space<vmem>>) semaphore(%arg18 : memref<!tpu.dma_semaphore, #tpu.memory_space<semaphore_mem>>)
    %scan3A_33 = arith.constant 0 : i32
    %scan3A_34 = arith.constant 0 : i32
    %scan3A_35 = arith.constant 38 : i32
    %scan3A_36 = arith.addi %scan3A_34, %scan3A_35 : i32
    %scan3A_37 = arith.constant 1 : i32
    %scan3A_38 = scf.for %scan3A_77 = %scan3A_34 to %scan3A_36 step %scan3A_37 iter_args(%scan3A_78 = %scan3A_33) -> (i32)  : i32 {
      %mul3A_79 = arith.constant 2 : i32
      %mul3A_80 = arith.muli %mul3A_79, %scan3A_77 : i32
      %mul3A_81 = arith.constant 128 : i32
      %mul3A_82 = arith.muli %mul3A_80, %mul3A_81 : i32
      %add3A_83 = arith.addi %mul3A_2, %mul3A_82 : i32
      %dma_wait3A_84 = tpu.memref_slice %arg4[%add3A_83] : memref<320000xi32, #tpu.memory_space<hbm>> -> memref<128xi32, #tpu.memory_space<hbm>>
      %dma_wait3A_85 = tpu.memref_slice %arg4[%add3A_83] : memref<320000xi32, #tpu.memory_space<hbm>> -> memref<128xi32, #tpu.memory_space<hbm>>
      tpu.wait_dma2 semaphore(%arg15 : memref<!tpu.dma_semaphore, #tpu.memory_space<semaphore_mem>>) src(%dma_wait3A_85 : memref<128xi32, #tpu.memory_space<hbm>>) dst(%arg9 : memref<128xi32, #tpu.memory_space<vmem>>)
      %mul3A_86 = arith.constant 128 : i32
      %mul3A_87 = arith.muli %mul3A_80, %mul3A_86 : i32
      %dma_wait3A_88 = tpu.memref_slice %arg8[%mul3A_87] : memref<10000xi32, #tpu.memory_space<vmem>> -> memref<128xi32, #tpu.memory_space<vmem>>
      %dma_wait3A_89 = arith.constant 0 : i32
      %dma_wait3A_90 = arith.constant 0 : i32
      %dma_wait3A_91 = tpu.memref_slice %arg2[%dma_wait3A_89, %dma_wait3A_90] : memref<10000x128xf32, #tpu.memory_space<hbm>> -> memref<10000x128xf32, #tpu.memory_space<hbm>>
      tpu.wait_indirect_dma semaphore(%arg17 : memref<!tpu.dma_semaphore, #tpu.memory_space<semaphore_mem>>) src(%dma_wait3A_91 : memref<10000x128xf32, #tpu.memory_space<hbm>>) dst(%arg12 : memref<128x128xf32, #tpu.memory_space<vmem>>)
      "tpu.region"() ({
        %run_scoped3A = tpu.sem_alloc : memref<!tpu.dma_semaphore, #tpu.memory_space<semaphore_mem>>
        %dma_start3A_138 = arith.constant 0 : i32
        %dma_start3A_139 = arith.constant 0 : i32
        %dma_start3A_140 = tpu.memref_slice %arg6[%dma_start3A_138, %dma_start3A_139] : memref<10240x128xf32, #tpu.memory_space<vmem_shared>> -> memref<10240x128xf32, #tpu.memory_space<vmem_shared>>
        tpu.enqueue_indirect_dma source(%arg12 : memref<128x128xf32, #tpu.memory_space<vmem>>) target(%dma_start3A_140 : memref<10240x128xf32, #tpu.memory_space<vmem_shared>>) offsets(%arg9 : memref<128xi32, #tpu.memory_space<vmem>>) semaphore(%run_scoped3A : memref<!tpu.dma_semaphore, #tpu.memory_space<semaphore_mem>>) {add = true}
        %dma_wait3A_141 = arith.constant 0 : i32
        %dma_wait3A_142 = arith.constant 0 : i32
        %dma_wait3A_143 = tpu.memref_slice %arg6[%dma_wait3A_141, %dma_wait3A_142] : memref<10240x128xf32, #tpu.memory_space<vmem_shared>> -> memref<10240x128xf32, #tpu.memory_space<vmem_shared>>
        tpu.wait_indirect_dma semaphore(%run_scoped3A : memref<!tpu.dma_semaphore, #tpu.memory_space<semaphore_mem>>) src(%arg12 : memref<128x128xf32, #tpu.memory_space<vmem>>) dst(%dma_wait3A_143 : memref<10240x128xf32, #tpu.memory_space<vmem_shared>>)
        tpu.yield
      }) : () -> ()
      %add3A_92 = arith.constant 2 : i32
      %add3A_93 = arith.addi %mul3A_80, %add3A_92 : i32
      %mul3A_94 = arith.constant 128 : i32
      %mul3A_95 = arith.muli %add3A_93, %mul3A_94 : i32
      %add3A_96 = arith.addi %mul3A_2, %mul3A_95 : i32
      %dma_start3A_97 = tpu.memref_slice %arg4[%add3A_96] : memref<320000xi32, #tpu.memory_space<hbm>> -> memref<128xi32, #tpu.memory_space<hbm>>
      %dma_start3A_98 = tpu.memref_slice %arg4[%add3A_96] : memref<320000xi32, #tpu.memory_space<hbm>> -> memref<128xi32, #tpu.memory_space<hbm>>
      tpu.enqueue_dma source(%dma_start3A_98 : memref<128xi32, #tpu.memory_space<hbm>>) target(%arg9 : memref<128xi32, #tpu.memory_space<vmem>>) target_semaphore(%arg15 : memref<!tpu.dma_semaphore, #tpu.memory_space<semaphore_mem>>)
      %add3A_99 = arith.constant 2 : i32
      %add3A_100 = arith.addi %mul3A_80, %add3A_99 : i32
      %mul3A_101 = arith.constant 128 : i32
      %mul3A_102 = arith.muli %add3A_100, %mul3A_101 : i32
      %dma_start3A_103 = tpu.memref_slice %arg8[%mul3A_102] : memref<10000xi32, #tpu.memory_space<vmem>> -> memref<128xi32, #tpu.memory_space<vmem>>
      %dma_start3A_104 = arith.constant 0 : i32
      %dma_start3A_105 = arith.constant 0 : i32
      %dma_start3A_106 = tpu.memref_slice %arg2[%dma_start3A_104, %dma_start3A_105] : memref<10000x128xf32, #tpu.memory_space<hbm>> -> memref<10000x128xf32, #tpu.memory_space<hbm>>
      tpu.enqueue_indirect_dma source(%dma_start3A_106 : memref<10000x128xf32, #tpu.memory_space<hbm>>) target(%arg12 : memref<128x128xf32, #tpu.memory_space<vmem>>) offsets(%dma_start3A_103 : memref<128xi32, #tpu.memory_space<vmem>>) semaphore(%arg17 : memref<!tpu.dma_semaphore, #tpu.memory_space<semaphore_mem>>)
      %add3A_107 = arith.constant 1 : i32
      %add3A_108 = arith.addi %mul3A_80, %add3A_107 : i32
      %mul3A_109 = arith.constant 128 : i32
      %mul3A_110 = arith.muli %add3A_108, %mul3A_109 : i32
      %add3A_111 = arith.addi %mul3A_2, %mul3A_110 : i32
      %dma_wait3A_112 = tpu.memref_slice %arg4[%add3A_111] : memref<320000xi32, #tpu.memory_space<hbm>> -> memref<128xi32, #tpu.memory_space<hbm>>
      %dma_wait3A_113 = tpu.memref_slice %arg4[%add3A_111] : memref<320000xi32, #tpu.memory_space<hbm>> -> memref<128xi32, #tpu.memory_space<hbm>>
      tpu.wait_dma2 semaphore(%arg16 : memref<!tpu.dma_semaphore, #tpu.memory_space<semaphore_mem>>) src(%dma_wait3A_113 : memref<128xi32, #tpu.memory_space<hbm>>) dst(%arg10 : memref<128xi32, #tpu.memory_space<vmem>>)
      %add3A_114 = arith.constant 1 : i32
      %add3A_115 = arith.addi %mul3A_80, %add3A_114 : i32
      %mul3A_116 = arith.constant 128 : i32
      %mul3A_117 = arith.muli %add3A_115, %mul3A_116 : i32
      %dma_wait3A_118 = tpu.memref_slice %arg8[%mul3A_117] : memref<10000xi32, #tpu.memory_space<vmem>> -> memref<128xi32, #tpu.memory_space<vmem>>
      %dma_wait3A_119 = arith.constant 0 : i32
      %dma_wait3A_120 = arith.constant 0 : i32
      %dma_wait3A_121 = tpu.memref_slice %arg2[%dma_wait3A_119, %dma_wait3A_120] : memref<10000x128xf32, #tpu.memory_space<hbm>> -> memref<10000x128xf32, #tpu.memory_space<hbm>>
      tpu.wait_indirect_dma semaphore(%arg18 : memref<!tpu.dma_semaphore, #tpu.memory_space<semaphore_mem>>) src(%dma_wait3A_121 : memref<10000x128xf32, #tpu.memory_space<hbm>>) dst(%arg13 : memref<128x128xf32, #tpu.memory_space<vmem>>)
      "tpu.region"() ({
        %run_scoped3A = tpu.sem_alloc : memref<!tpu.dma_semaphore, #tpu.memory_space<semaphore_mem>>
        %dma_start3A_138 = arith.constant 0 : i32
        %dma_start3A_139 = arith.constant 0 : i32
        %dma_start3A_140 = tpu.memref_slice %arg6[%dma_start3A_138, %dma_start3A_139] : memref<10240x128xf32, #tpu.memory_space<vmem_shared>> -> memref<10240x128xf32, #tpu.memory_space<vmem_shared>>
        tpu.enqueue_indirect_dma source(%arg13 : memref<128x128xf32, #tpu.memory_space<vmem>>) target(%dma_start3A_140 : memref<10240x128xf32, #tpu.memory_space<vmem_shared>>) offsets(%arg10 : memref<128xi32, #tpu.memory_space<vmem>>) semaphore(%run_scoped3A : memref<!tpu.dma_semaphore, #tpu.memory_space<semaphore_mem>>) {add = true}
        %dma_wait3A_141 = arith.constant 0 : i32
        %dma_wait3A_142 = arith.constant 0 : i32
        %dma_wait3A_143 = tpu.memref_slice %arg6[%dma_wait3A_141, %dma_wait3A_142] : memref<10240x128xf32, #tpu.memory_space<vmem_shared>> -> memref<10240x128xf32, #tpu.memory_space<vmem_shared>>
        tpu.wait_indirect_dma semaphore(%run_scoped3A : memref<!tpu.dma_semaphore, #tpu.memory_space<semaphore_mem>>) src(%arg13 : memref<128x128xf32, #tpu.memory_space<vmem>>) dst(%dma_wait3A_143 : memref<10240x128xf32, #tpu.memory_space<vmem_shared>>)
        tpu.yield
      }) : () -> ()
      %add3A_122 = arith.constant 3 : i32
      %add3A_123 = arith.addi %mul3A_80, %add3A_122 : i32
      %mul3A_124 = arith.constant 128 : i32
      %mul3A_125 = arith.muli %add3A_123, %mul3A_124 : i32
      %add3A_126 = arith.addi %mul3A_2, %mul3A_125 : i32
      %dma_start3A_127 = tpu.memref_slice %arg4[%add3A_126] : memref<320000xi32, #tpu.memory_space<hbm>> -> memref<128xi32, #tpu.memory_space<hbm>>
      %dma_start3A_128 = tpu.memref_slice %arg4[%add3A_126] : memref<320000xi32, #tpu.memory_space<hbm>> -> memref<128xi32, #tpu.memory_space<hbm>>
      tpu.enqueue_dma source(%dma_start3A_128 : memref<128xi32, #tpu.memory_space<hbm>>) target(%arg10 : memref<128xi32, #tpu.memory_space<vmem>>) target_semaphore(%arg16 : memref<!tpu.dma_semaphore, #tpu.memory_space<semaphore_mem>>)
      %add3A_129 = arith.constant 3 : i32
      %add3A_130 = arith.addi %mul3A_80, %add3A_129 : i32
      %mul3A_131 = arith.constant 128 : i32
      %mul3A_132 = arith.muli %add3A_130, %mul3A_131 : i32
      %dma_start3A_133 = tpu.memref_slice %arg8[%mul3A_132] : memref<10000xi32, #tpu.memory_space<vmem>> -> memref<128xi32, #tpu.memory_space<vmem>>
      %dma_start3A_134 = arith.constant 0 : i32
      %dma_start3A_135 = arith.constant 0 : i32
      %dma_start3A_136 = tpu.memref_slice %arg2[%dma_start3A_134, %dma_start3A_135] : memref<10000x128xf32, #tpu.memory_space<hbm>> -> memref<10000x128xf32, #tpu.memory_space<hbm>>
      tpu.enqueue_indirect_dma source(%dma_start3A_136 : memref<10000x128xf32, #tpu.memory_space<hbm>>) target(%arg13 : memref<128x128xf32, #tpu.memory_space<vmem>>) offsets(%dma_start3A_133 : memref<128xi32, #tpu.memory_space<vmem>>) semaphore(%arg18 : memref<!tpu.dma_semaphore, #tpu.memory_space<semaphore_mem>>)
      %scan3A_137 = arith.constant 0 : i32
      scf.yield %scan3A_137 : i32
    }
    %scan3A_39 = arith.constant 38 : i32
    %add3A_40 = arith.constant 9728 : i32
    %add3A_41 = arith.addi %mul3A_2, %add3A_40 : i32
    %dma_wait3A = tpu.memref_slice %arg4[%add3A_41] : memref<320000xi32, #tpu.memory_space<hbm>> -> memref<128xi32, #tpu.memory_space<hbm>>
    %dma_wait3A_42 = tpu.memref_slice %arg4[%add3A_41] : memref<320000xi32, #tpu.memory_space<hbm>> -> memref<128xi32, #tpu.memory_space<hbm>>
    tpu.wait_dma2 semaphore(%arg15 : memref<!tpu.dma_semaphore, #tpu.memory_space<semaphore_mem>>) src(%dma_wait3A_42 : memref<128xi32, #tpu.memory_space<hbm>>) dst(%arg9 : memref<128xi32, #tpu.memory_space<vmem>>)
    %dma_wait3A_43 = arith.constant 9728 : i32
    %dma_wait3A_44 = tpu.memref_slice %arg8[%dma_wait3A_43] : memref<10000xi32, #tpu.memory_space<vmem>> -> memref<128xi32, #tpu.memory_space<vmem>>
    %dma_wait3A_45 = arith.constant 0 : i32
    %dma_wait3A_46 = arith.constant 0 : i32
    %dma_wait3A_47 = tpu.memref_slice %arg2[%dma_wait3A_45, %dma_wait3A_46] : memref<10000x128xf32, #tpu.memory_space<hbm>> -> memref<10000x128xf32, #tpu.memory_space<hbm>>
    tpu.wait_indirect_dma semaphore(%arg17 : memref<!tpu.dma_semaphore, #tpu.memory_space<semaphore_mem>>) src(%dma_wait3A_47 : memref<10000x128xf32, #tpu.memory_space<hbm>>) dst(%arg12 : memref<128x128xf32, #tpu.memory_space<vmem>>)
    "tpu.region"() ({
      %run_scoped3A = tpu.sem_alloc : memref<!tpu.dma_semaphore, #tpu.memory_space<semaphore_mem>>
      %dma_start3A_77 = arith.constant 0 : i32
      %dma_start3A_78 = arith.constant 0 : i32
      %dma_start3A_79 = tpu.memref_slice %arg6[%dma_start3A_77, %dma_start3A_78] : memref<10240x128xf32, #tpu.memory_space<vmem_shared>> -> memref<10240x128xf32, #tpu.memory_space<vmem_shared>>
      tpu.enqueue_indirect_dma source(%arg12 : memref<128x128xf32, #tpu.memory_space<vmem>>) target(%dma_start3A_79 : memref<10240x128xf32, #tpu.memory_space<vmem_shared>>) offsets(%arg9 : memref<128xi32, #tpu.memory_space<vmem>>) semaphore(%run_scoped3A : memref<!tpu.dma_semaphore, #tpu.memory_space<semaphore_mem>>) {add = true}
      %dma_wait3A_80 = arith.constant 0 : i32
      %dma_wait3A_81 = arith.constant 0 : i32
      %dma_wait3A_82 = tpu.memref_slice %arg6[%dma_wait3A_80, %dma_wait3A_81] : memref<10240x128xf32, #tpu.memory_space<vmem_shared>> -> memref<10240x128xf32, #tpu.memory_space<vmem_shared>>
      tpu.wait_indirect_dma semaphore(%run_scoped3A : memref<!tpu.dma_semaphore, #tpu.memory_space<semaphore_mem>>) src(%arg12 : memref<128x128xf32, #tpu.memory_space<vmem>>) dst(%dma_wait3A_82 : memref<10240x128xf32, #tpu.memory_space<vmem_shared>>)
      tpu.yield
    }) : () -> ()
    %add3A_48 = arith.constant 9856 : i32
    %add3A_49 = arith.addi %mul3A_2, %add3A_48 : i32
    %dma_wait3A_50 = tpu.memref_slice %arg4[%add3A_49] : memref<320000xi32, #tpu.memory_space<hbm>> -> memref<128xi32, #tpu.memory_space<hbm>>
    %dma_wait3A_51 = tpu.memref_slice %arg4[%add3A_49] : memref<320000xi32, #tpu.memory_space<hbm>> -> memref<128xi32, #tpu.memory_space<hbm>>
    tpu.wait_dma2 semaphore(%arg16 : memref<!tpu.dma_semaphore, #tpu.memory_space<semaphore_mem>>) src(%dma_wait3A_51 : memref<128xi32, #tpu.memory_space<hbm>>) dst(%arg10 : memref<128xi32, #tpu.memory_space<vmem>>)
    %dma_wait3A_52 = arith.constant 9856 : i32
    %dma_wait3A_53 = tpu.memref_slice %arg8[%dma_wait3A_52] : memref<10000xi32, #tpu.memory_space<vmem>> -> memref<128xi32, #tpu.memory_space<vmem>>
    %dma_wait3A_54 = arith.constant 0 : i32
    %dma_wait3A_55 = arith.constant 0 : i32
    %dma_wait3A_56 = tpu.memref_slice %arg2[%dma_wait3A_54, %dma_wait3A_55] : memref<10000x128xf32, #tpu.memory_space<hbm>> -> memref<10000x128xf32, #tpu.memory_space<hbm>>
    tpu.wait_indirect_dma semaphore(%arg18 : memref<!tpu.dma_semaphore, #tpu.memory_space<semaphore_mem>>) src(%dma_wait3A_56 : memref<10000x128xf32, #tpu.memory_space<hbm>>) dst(%arg13 : memref<128x128xf32, #tpu.memory_space<vmem>>)
    "tpu.region"() ({
      %run_scoped3A = tpu.sem_alloc : memref<!tpu.dma_semaphore, #tpu.memory_space<semaphore_mem>>
      %dma_start3A_77 = arith.constant 0 : i32
      %dma_start3A_78 = arith.constant 0 : i32
      %dma_start3A_79 = tpu.memref_slice %arg6[%dma_start3A_77, %dma_start3A_78] : memref<10240x128xf32, #tpu.memory_space<vmem_shared>> -> memref<10240x128xf32, #tpu.memory_space<vmem_shared>>
      tpu.enqueue_indirect_dma source(%arg13 : memref<128x128xf32, #tpu.memory_space<vmem>>) target(%dma_start3A_79 : memref<10240x128xf32, #tpu.memory_space<vmem_shared>>) offsets(%arg10 : memref<128xi32, #tpu.memory_space<vmem>>) semaphore(%run_scoped3A : memref<!tpu.dma_semaphore, #tpu.memory_space<semaphore_mem>>) {add = true}
      %dma_wait3A_80 = arith.constant 0 : i32
      %dma_wait3A_81 = arith.constant 0 : i32
      %dma_wait3A_82 = tpu.memref_slice %arg6[%dma_wait3A_80, %dma_wait3A_81] : memref<10240x128xf32, #tpu.memory_space<vmem_shared>> -> memref<10240x128xf32, #tpu.memory_space<vmem_shared>>
      tpu.wait_indirect_dma semaphore(%run_scoped3A : memref<!tpu.dma_semaphore, #tpu.memory_space<semaphore_mem>>) src(%arg13 : memref<128x128xf32, #tpu.memory_space<vmem>>) dst(%dma_wait3A_82 : memref<10240x128xf32, #tpu.memory_space<vmem_shared>>)
      tpu.yield
    }) : () -> ()
    %add3A_57 = arith.constant 9984 : i32
    %add3A_58 = arith.addi %mul3A_2, %add3A_57 : i32
    "tpu.region"() ({
      %run_scoped3A = tpu.sem_alloc : memref<!tpu.dma_semaphore, #tpu.memory_space<semaphore_mem>>
      %dma_start3A_77 = tpu.memref_slice %arg4[%add3A_58] : memref<320000xi32, #tpu.memory_space<hbm>> -> memref<16xi32, #tpu.memory_space<hbm>>
      %dma_start3A_78 = tpu.memref_slice %arg4[%add3A_58] : memref<320000xi32, #tpu.memory_space<hbm>> -> memref<16xi32, #tpu.memory_space<hbm>>
      tpu.enqueue_dma source(%dma_start3A_78 : memref<16xi32, #tpu.memory_space<hbm>>) target(%arg11 : memref<16xi32, #tpu.memory_space<vmem>>) target_semaphore(%run_scoped3A : memref<!tpu.dma_semaphore, #tpu.memory_space<semaphore_mem>>)
      %dma_wait3A_79 = tpu.memref_slice %arg4[%add3A_58] : memref<320000xi32, #tpu.memory_space<hbm>> -> memref<16xi32, #tpu.memory_space<hbm>>
      %dma_wait3A_80 = tpu.memref_slice %arg4[%add3A_58] : memref<320000xi32, #tpu.memory_space<hbm>> -> memref<16xi32, #tpu.memory_space<hbm>>
      tpu.wait_dma2 semaphore(%run_scoped3A : memref<!tpu.dma_semaphore, #tpu.memory_space<semaphore_mem>>) src(%dma_wait3A_80 : memref<16xi32, #tpu.memory_space<hbm>>) dst(%arg11 : memref<16xi32, #tpu.memory_space<vmem>>)
      tpu.yield
    }) : () -> ()
    %dma_start3A_59 = arith.constant 9984 : i32
    %dma_start3A_60 = tpu.memref_slice %arg8[%dma_start3A_59] : memref<10000xi32, #tpu.memory_space<vmem>> -> memref<16xi32, #tpu.memory_space<vmem>>
    %dma_start3A_61 = arith.constant 0 : i32
    %dma_start3A_62 = arith.constant 0 : i32
    %dma_start3A_63 = tpu.memref_slice %arg2[%dma_start3A_61, %dma_start3A_62] : memref<10000x128xf32, #tpu.memory_space<hbm>> -> memref<10000x128xf32, #tpu.memory_space<hbm>>
    tpu.enqueue_indirect_dma source(%dma_start3A_63 : memref<10000x128xf32, #tpu.memory_space<hbm>>) target(%arg14 : memref<16x128xf32, #tpu.memory_space<vmem>>) offsets(%dma_start3A_60 : memref<16xi32, #tpu.memory_space<vmem>>) semaphore(%arg19 : memref<!tpu.dma_semaphore, #tpu.memory_space<semaphore_mem>>)
    %dma_wait3A_64 = arith.constant 9984 : i32
    %dma_wait3A_65 = tpu.memref_slice %arg8[%dma_wait3A_64] : memref<10000xi32, #tpu.memory_space<vmem>> -> memref<16xi32, #tpu.memory_space<vmem>>
    %dma_wait3A_66 = arith.constant 0 : i32
    %dma_wait3A_67 = arith.constant 0 : i32
    %dma_wait3A_68 = tpu.memref_slice %arg2[%dma_wait3A_66, %dma_wait3A_67] : memref<10000x128xf32, #tpu.memory_space<hbm>> -> memref<10000x128xf32, #tpu.memory_space<hbm>>
    tpu.wait_indirect_dma semaphore(%arg19 : memref<!tpu.dma_semaphore, #tpu.memory_space<semaphore_mem>>) src(%dma_wait3A_68 : memref<10000x128xf32, #tpu.memory_space<hbm>>) dst(%arg14 : memref<16x128xf32, #tpu.memory_space<vmem>>)
    "tpu.region"() ({
      %run_scoped3A = tpu.sem_alloc : memref<!tpu.dma_semaphore, #tpu.memory_space<semaphore_mem>>
      %dma_start3A_77 = arith.constant 0 : i32
      %dma_start3A_78 = arith.constant 0 : i32
      %dma_start3A_79 = tpu.memref_slice %arg6[%dma_start3A_77, %dma_start3A_78] : memref<10240x128xf32, #tpu.memory_space<vmem_shared>> -> memref<10240x128xf32, #tpu.memory_space<vmem_shared>>
      tpu.enqueue_indirect_dma source(%arg14 : memref<16x128xf32, #tpu.memory_space<vmem>>) target(%dma_start3A_79 : memref<10240x128xf32, #tpu.memory_space<vmem_shared>>) offsets(%arg11 : memref<16xi32, #tpu.memory_space<vmem>>) semaphore(%run_scoped3A : memref<!tpu.dma_semaphore, #tpu.memory_space<semaphore_mem>>) {add = true}
      %dma_wait3A_80 = arith.constant 0 : i32
      %dma_wait3A_81 = arith.constant 0 : i32
      %dma_wait3A_82 = tpu.memref_slice %arg6[%dma_wait3A_80, %dma_wait3A_81] : memref<10240x128xf32, #tpu.memory_space<vmem_shared>> -> memref<10240x128xf32, #tpu.memory_space<vmem_shared>>
      tpu.wait_indirect_dma semaphore(%run_scoped3A : memref<!tpu.dma_semaphore, #tpu.memory_space<semaphore_mem>>) src(%arg14 : memref<16x128xf32, #tpu.memory_space<vmem>>) dst(%dma_wait3A_82 : memref<10240x128xf32, #tpu.memory_space<vmem_shared>>)
      tpu.yield
    }) : () -> ()
    %barrier3A_69 = arith.constant 0 : index
    tpu.barrier barrier_id(%barrier3A_69)
    %scan3A_70 = arith.constant 0 : i32
    %scan3A_71 = arith.constant 0 : i32
    %scan3A_72 = arith.constant 40 : i32
    %scan3A_73 = arith.addi %scan3A_71, %scan3A_72 : i32
    %scan3A_74 = arith.constant 1 : i32
    %scan3A_75 = scf.for %scan3A_77 = %scan3A_71 to %scan3A_73 step %scan3A_74 iter_args(%scan3A_78 = %scan3A_70) -> (i32)  : i32 {
      %mul3A_79 = arith.constant 16 : i32
      %mul3A_80 = arith.muli %scan3A_77, %mul3A_79 : i32
      %add3A_81 = arith.addi %arg1, %mul3A_80 : i32
      %lt3A = arith.constant 625 : i32
      %lt3A_82 = arith.cmpi slt, %add3A_81, %lt3A : i32
      %convert_element_type3A = arith.extui %lt3A_82 : i1 to i32
      %cond3A = arith.constant 0 : i32
      %cond3A_83 = arith.cmpi ne, %convert_element_type3A, %cond3A : i32
      scf.if %cond3A_83 {
        %mul3A_85 = arith.constant 16 : i32
        %mul3A_86 = arith.muli %add3A_81, %mul3A_85 : i32
        "tpu.region"() ({
          %run_scoped3A = tpu.sem_alloc : memref<!tpu.dma_semaphore, #tpu.memory_space<semaphore_mem>>
          %dma_start3A_87 = arith.constant 0 : i32
          %dma_start3A_88 = tpu.memref_slice %arg5[%arg0, %mul3A_86, %dma_start3A_87] : memref<2x10000x128xf32, #tpu.memory_space<hbm>> -> memref<1x16x128xf32, #tpu.memory_space<hbm>>
          %dma_start3A_89 = tpu.memref_squeeze %dma_start3A_88 : memref<1x16x128xf32, #tpu.memory_space<hbm>> -> memref<16x128xf32, #tpu.memory_space<hbm>>
          %dma_start3A_90 = arith.constant 0 : i32
          %dma_start3A_91 = tpu.memref_slice %arg6[%mul3A_86, %dma_start3A_90] : memref<10240x128xf32, #tpu.memory_space<vmem_shared>> -> memref<16x128xf32, #tpu.memory_space<vmem_shared>>
          tpu.enqueue_dma source(%dma_start3A_91 : memref<16x128xf32, #tpu.memory_space<vmem_shared>>) target(%dma_start3A_89 : memref<16x128xf32, #tpu.memory_space<hbm>>) target_semaphore(%run_scoped3A : memref<!tpu.dma_semaphore, #tpu.memory_space<semaphore_mem>>)
          %dma_wait3A_92 = arith.constant 0 : i32
          %dma_wait3A_93 = tpu.memref_slice %arg5[%arg0, %mul3A_86, %dma_wait3A_92] : memref<2x10000x128xf32, #tpu.memory_space<hbm>> -> memref<1x16x128xf32, #tpu.memory_space<hbm>>
          %dma_wait3A_94 = tpu.memref_squeeze %dma_wait3A_93 : memref<1x16x128xf32, #tpu.memory_space<hbm>> -> memref<16x128xf32, #tpu.memory_space<hbm>>
          %dma_wait3A_95 = arith.constant 0 : i32
          %dma_wait3A_96 = tpu.memref_slice %arg6[%mul3A_86, %dma_wait3A_95] : memref<10240x128xf32, #tpu.memory_space<vmem_shared>> -> memref<16x128xf32, #tpu.memory_space<vmem_shared>>
          tpu.wait_dma2 semaphore(%run_scoped3A : memref<!tpu.dma_semaphore, #tpu.memory_space<semaphore_mem>>) src(%dma_wait3A_96 : memref<16x128xf32, #tpu.memory_space<vmem_shared>>) dst(%dma_wait3A_94 : memref<16x128xf32, #tpu.memory_space<hbm>>)
          tpu.yield
        }) : () -> ()
      } else {
      }
      %scan3A_84 = arith.constant 0 : i32
      scf.yield %scan3A_84 : i32
    }
    %scan3A_76 = arith.constant 40 : i32
    return
  }
}

module attributes {stable_mosaic.version = 14 : i64} {
  func.func @_add_body(%arg0: i32, %arg1: memref<1000x128xf32, #tpu.memory_space<vmem>>, %arg2: memref<1000x128xf32, #tpu.memory_space<vmem>>, %arg3: memref<1000x128xf32, #tpu.memory_space<vmem>>) attributes {dimension_semantics = [#tpu.dimension_semantics<arbitrary>], iteration_bounds = array<i64: 10>, scalar_prefetch = 0 : i64, scratch_operands = 0 : i64, tpu.core_type = #tpu.core_type<tc>, window_params = [{transform_indices = @transform_0, window_bounds = array<i64: 1000, 128>}, {transform_indices = @transform_1, window_bounds = array<i64: 1000, 128>}, {transform_indices = @transform_2, window_bounds = array<i64: 1000, 128>}]} {
    %get3A = arith.constant 0 : index
    %get3A_0 = arith.constant 0 : index
    %get3A_1 = vector.load %arg1[%get3A, %get3A_0] : memref<1000x128xf32, #tpu.memory_space<vmem>>, vector<1000x128xf32>
    %get3A_2 = arith.constant 0 : index
    %get3A_3 = arith.constant 0 : index
    %get3A_4 = vector.load %arg2[%get3A_2, %get3A_3] : memref<1000x128xf32, #tpu.memory_space<vmem>>, vector<1000x128xf32>
    %add3A = arith.addf %get3A_1, %get3A_4 : vector<1000x128xf32>
    %swap3A = arith.constant 0 : index
    %swap3A_5 = arith.constant 0 : index
    %swap3A_6 = vector.load %arg3[%swap3A, %swap3A_5] : memref<1000x128xf32, #tpu.memory_space<vmem>>, vector<1000x128xf32>
    tpu.vector_store %arg3[%swap3A, %swap3A_5], %add3A {strides = array<i32>} : memref<1000x128xf32, #tpu.memory_space<vmem>>, vector<1000x128xf32>,
    return
  }
  func.func @transform_0(%arg0: i32) -> (i32, i32) {
    %c0_i32 = arith.constant 0 : i32
    %c0_i32_0 = arith.constant 0 : i32
    return %arg0, %c0_i32 : i32, i32
  }
  func.func @transform_1(%arg0: i32) -> (i32, i32) {
    %c0_i32 = arith.constant 0 : i32
    %c0_i32_0 = arith.constant 0 : i32
    return %arg0, %c0_i32 : i32, i32
  }
  func.func @transform_2(%arg0: i32) -> (i32, i32) {
    %c0_i32 = arith.constant 0 : i32
    %c0_i32_0 = arith.constant 0 : i32
    return %arg0, %c0_i32 : i32, i32
  }
}

</mosaic_0001>

<sc_bundles>
// kernel: kernel.4.cloned.1.call-start
scs
__scs_entry_jumppad:
0x0: {  	(pc) =	sbr.rel $0x88, $3  }
0x1: {  	(tag) =	ssettag $0x0;
	lr =	simm.s32 $0x1  }
0x2: {  	[smem:$0x3F9F] =	sst lr;
	_ =	strace $0xD0000000  }
0x3: {  	_ = 	snop  }
0x4: {  	_ = 	snop  }
0x5: {  	_ = 	snop  }
0x6: {  	_ = 	snop  }
0x7: {  	_ = 	snop  }
__scs_overlays_trampoline_lowered:
0x8: {  	[smem:$0x3FAE] =	sst s0  }
0x9: {  	[smem:$0x3FAF] =	sst s1  }
0xa: {  	[smem:$0x3FB0] =	sst s2  }
0xb: {  	[smem:$0x3FB1] =	sst s3  }
0xc: {  	[smem:$0x3FB2] =	sst s4  }
0xd: {  	[smem:$0x3FB3] =	sst s5  }
0xe: {  	[smem:$0x3FB4] =	sst s6  }
0xf: {  	[smem:$0x3FB5] =	sst s7  }
0x10: {  	[smem:$0x3FB6] =	sst s8  }
0x11: {  	[smem:$0x3FB7] =	sst s9;
	s0 =	simm.s32 @!p0 $0x0  }
0x12: {  	s1 =	sld [smem:$0x3F9D];
	s0 =	simm.s32 @p0 $0x1  }
0x13: {  	[smem:$0x3FB8] =	sst s0;
	s0 =	simm.s32 @!p1 $0x0  }
0x14: {  	s2 =	sld [smem:$0x3F9C];
	s0 =	simm.s32 @p1 $0x1  }
0x15: {  	[smem:$0x3FB9] =	sst s0;
	s0 =	simm.s32 @!p2 $0x0  }
0x16: {  	s3 =	sld [smem:$0x3FDB];
	s0 =	simm.s32 @p2 $0x1  }
0x17: {  	s4 =	simm.s32 $0x1BF5;
	[smem:$0x3FBB] =	sst s0  }
0x18: {  	s0 =	sld [smem:$0x3F9E];
	_ =	swait.ge [sflag:s4], $0x0  }
0x19: {  	s7 =	sld [smem:$0x3F9F]  }
0x1a: {  	s8 =	sadd.s32 $0xFFFFE003, lr  }
0x1b: {  	s9 =	sadd.s32 $0xFFFFFEF7, lr;
	s5 =	simm.s32 $0xFFFFFFFF;
	p2 =	slt.u32 s8, $0xFFFFF086  }
0x1c: {  	p1 =	slt.u32 s9, $0xF7A;
	s5 =	simm.s32 @!p2 $0x0  }
0x1d: {  	s5 =	simm.s32 @p1 $0x1;
	p0 =	seq.s32 s7, s2  }
0x1e: {  	s7 =	smul.u32 @!p0 $0xF7A, s2;
	p2 =	seq.s32 @!p0 s5, $0x0  }
0x1f: {  	s9 =	smul.u32 $0xF7A, s1;
	s8 =	simm.s32 @!p0 $0x1BF5;
	p2 =	por !p2, p0  }
0x20: {  	[sflag:s8] =	ssyncset.s32 @!p0 $0xFFFFF086;
	s6 =	sadd.s32 @!p0 s3, s7;
	s7 =	simm.s32 @!p0 $0x108  }
0x21: {  	s3 =	sadd.s32 s3, s9;
	s6 =	sadd.s32 @!p0 $0x88, s6;
	s7 =	simm.s32 @p2 $0x1082  }
0x22: {  	[simem:s7], [sflag:s8] =	dma.local @!p0 [hbm:s6], $0xF7A  }
0x23: {  	s9 =	sor.u32 $0xD0000000, s2;
	s6 =	simm.s32 $0x108;
	_ =	swait.ge @!p0 [sflag:s8], $0x0  }
0x24: {  	s3 =	sadd.s32 $0x88, s3;
	s6 =	simm.s32 @!p1 $0x1082;
	[sflag:s4] =	ssyncset.s32 $0xFFFFF086  }
0x25: {  	[simem:s6], [sflag:s4] =	dma.local [hbm:s3], $0xF7A  }
0x26: {  	[smem:$0x3F9F] =	sst s1;
	(tag) =	ssettag s2;
	_ =	strace s9  }
0x27: {  	s1 =	sld [smem:$0x3FAF]  }
0x28: {  	s2 =	sld [smem:$0x3FB0]  }
0x29: {  	s4 =	sld [smem:$0x3FB2]  }
0x2a: {  	p0 =	seq.s32 s5, $0x0;
	s5 =	sld [smem:$0x3FB3]  }
0x2b: {  	s6 =	sld [smem:$0x3FB4]  }
0x2c: {  	s7 =	sld [smem:$0x3FB5]  }
0x2d: {  	s3 =	simm.s32 $0x108;
	s8 =	sld [smem:$0x3FB6]  }
0x2e: {  	s3 =	simm.s32 @!p0 $0x1082;
	s9 =	sld [smem:$0x3FB7]  }
0x2f: {  	lr =	sadd.s32 s0, s3;
	s0 =	sld [smem:$0x3FAE]  }
0x30: {  	s3 =	sld [smem:$0x3FB1]  }
0x31: {  	[smem:$0x3FBA] =	sst s10  }
0x32: {  	s10 =	sld [smem:$0x3FB8];
	_ =	sdelay $0x3  }
0x33: {  	p0 =	seq.s32 s10, $0x1;
	s10 =	sld [smem:$0x3FBA];
	_ =	sdelay $0x3  }
0x34: {  	[smem:$0x3FBA] =	sst s10  }
0x35: {  	s10 =	sld [smem:$0x3FB9];
	_ =	sdelay $0x3  }
0x36: {  	p1 =	seq.s32 s10, $0x1;
	s10 =	sld [smem:$0x3FBA];
	_ =	sdelay $0x3  }
0x37: {  	[smem:$0x3FBA] =	sst s10  }
0x38: {  	s10 =	sld [smem:$0x3FBB]  }
0x39: {  	_ = 	snop;
	(pc) =	sbr.ind lr, $3  }
0x3a: {  	_ = 	snop  }
0x3b: {  	_ = 	snop  }
0x3c: {  	p2 =	seq.s32 s10, $0x1;
	s10 =	sld [smem:$0x3FBA]  }
0x3d: {  	_ =	shalt  }
0x3e: {  	_ =	shalt  }
0x3f: {  	_ =	shalt  }
0x40: {  	_ =	shalt  }
0x41: {  	_ =	shalt  }
0x42: {  	_ =	shalt  }
0x43: {  	_ =	shalt  }
0x44: {  	_ =	shalt  }
0x45: {  	_ =	shalt  }
0x46: {  	_ =	shalt  }
0x47: {  	_ =	shalt  }
0x48: {  	_ =	shalt  }
0x49: {  	_ =	shalt  }
0x4a: {  	_ =	shalt  }
0x4b: {  	_ =	shalt  }
0x4c: {  	_ =	shalt  }
0x4d: {  	_ =	shalt  }
0x4e: {  	_ =	shalt  }
0x4f: {  	_ =	shalt  }
0x50: {  	_ =	shalt  }
0x51: {  	_ =	shalt  }
0x52: {  	_ =	shalt  }
0x53: {  	_ =	shalt  }
0x54: {  	_ =	shalt  }
0x55: {  	_ =	shalt  }
0x56: {  	_ =	shalt  }
0x57: {  	_ =	shalt  }
0x58: {  	_ =	shalt  }
0x59: {  	_ =	shalt  }
0x5a: {  	_ =	shalt  }
0x5b: {  	_ =	shalt  }
0x5c: {  	_ =	shalt  }
0x5d: {  	_ =	shalt  }
0x5e: {  	_ =	shalt  }
0x5f: {  	_ =	shalt  }
0x60: {  	_ =	shalt  }
0x61: {  	_ =	shalt  }
0x62: {  	_ =	shalt  }
0x63: {  	_ =	shalt  }
0x64: {  	_ =	shalt  }
0x65: {  	_ =	shalt  }
0x66: {  	_ =	shalt  }
0x67: {  	_ =	shalt  }
0x68: {  	_ =	shalt  }
0x69: {  	_ =	shalt  }
0x6a: {  	_ =	shalt  }
0x6b: {  	_ =	shalt  }
0x6c: {  	_ =	shalt  }
0x6d: {  	_ =	shalt  }
0x6e: {  	_ =	shalt  }
0x6f: {  	_ =	shalt  }
0x70: {  	_ =	shalt  }
0x71: {  	_ =	shalt  }
0x72: {  	_ =	shalt  }
0x73: {  	_ =	shalt  }
0x74: {  	_ =	shalt  }
0x75: {  	_ =	shalt  }
0x76: {  	_ =	shalt  }
0x77: {  	_ =	shalt  }
0x78: {  	_ =	shalt  }
0x79: {  	_ =	shalt  }
0x7a: {  	_ =	shalt  }
0x7b: {  	_ =	shalt  }
0x7c: {  	_ =	shalt  }
0x7d: {  	_ =	shalt  }
0x7e: {  	_ =	shalt  }
0x7f: {  	_ =	shalt  }
0x80: {  	_ =	shalt  }
0x81: {  	_ =	shalt  }
0x82: {  	_ =	shalt  }
0x83: {  	_ =	shalt  }
0x84: {  	_ =	shalt  }
0x85: {  	_ =	shalt  }
0x86: {  	_ =	shalt  }
0x87: {  	_ =	shalt  }
.Lfunc_end0:
.L_simem_size_0:
called_computation_lowered:
.L_overlay_start_0:
0x88: {  	s2 =	sld [smem:$0x3FD9]  }
0x89: {  	s3 =	sld [smem:$0x3FFE];
	_ =	sdelay $0x1  }
0x8a: {  	s1 =	srdreg.scid  }
0x8b: {  	s0 =	sand.u32 $0x1, s1  }
0x8c: {  	s17 =	sshll.u32 s0, $0xA;
	s2 =	sadd.s32 s3, s2  }
0x8d: {  	s2 =	sadd.s32 s2, s17  }
0x8e: {  	[smem:$0x3FC6] =	sst s2  }
0x8f: {  	_ = 	snop  }
0x90: {  	s2 =	sld [smem:$0x3FC9]  }
0x91: {  	s18 =	sld [smem:$0x3FD0];
	(tm) =	ssettm $0x1  }
0x92: {  	s4 =	sld [smem:$0x3FFB];
	_ =	sdelay $0x3  }
0x93: {  	_ =	strace s4  }
0x94: {  	s4 =	sld [smem:$0x3FFC];
	_ =	sdelay $0x3  }
0x95: {  	_ =	strace s4  }
0x96: {  	s4 =	sld [smem:$0x3FFD];
	_ =	sdelay $0x3  }
0x97: {  	_ =	strace s4  }
0x98: {  	_ =	strace $0x8FFFFFFF  }
0x99: {  	s19 =	sld [smem:$0x3FDB];
	_ =	sdelay $0x1  }
0x9a: {  	s5 =	simm.s32 $_scs_section_size  }
0x9b: {  	s6 =	simm.s32 $_size__tile_overlayer_lowered;
	s7 =	simm.s32 $_tile_overlayer_lowered  }
0x9c: {  	s22 =	simm.s32 $0x1BFF;
	s21 =	sshll.u32 s7, $0x1;
	s4 =	sadd.s32 s5, s19  }
0x9d: {  	s8 =	simm.s32 $0x0;
	s20 =	sshll.u32 s6, $0x1;
	s6 =	sadd.s32 s21, s4  }
0x9e: {  	[timem:s8], [sflag:s22] =	dma.local [hbm:s6], s20  }
0x9f: {  	_ =	swait.ge [sflag:s22], s20  }
0xa0: {  	s5 =	ssub.s32 $0x0, s20;
	[sflag:s22] =	ssyncset.done $0x0  }
0xa1: {  	[sflag:s22] =	ssyncadd.s32 s5;
	_ =	sdelay $0x1  }
0xa2: {  	s23 =	simm.s32 $0x1B8B  }
0xa3: {  	_ =	swait.ge [sflag:s23], $0x1  }
0xa4: {  	[sflag:s23] =	ssyncset.done $0x0  }
0xa5: {  	s25 =	simm.s32 $0x1B8E;
	s24 =	sld [smem:$0x3FFE];
	[sflag:s23] =	ssyncadd.s32 $0xFFFFFFFF  }
0xa6: {  	s26 =	simm.s32 $execute0_lowered;
	[smem:$0x3FD2] =	sst s25  }
0xa7: {  	s6 =	sshll.u32 s26, $0x1;
	_ =	strace $0x80000046;
	[dreg:$0x1] =	wrdreg $0xFFFFFFFF  }
0xa8: {  	s28 =	simm.s32 $_size_execute0_lowered;
	s4 =	sadd.s32 s4, s6;
	[dreg:$0x0] =	wrdreg $0x0  }
0xa9: {  	s6 =	sshll.u32 s28, $0x1;
	[dreg:$0x2] =	wrdreg s4  }
0xaa: {  	[dreg:$0x3] =	wrdreg s6  }
0xab: {  	[dreg:$0x4] =	wrdreg $0xC0  }
0xac: {  	_ =	task [dreg:s8], $0x5FFFF  }
0xad: {  	[dreg:$0x1] =	wrdreg $0xFFFFFFFF  }
0xae: {  	[dreg:$0x0] =	wrdreg $0x60  }
0xaf: {  	[dreg:$0x2] =	wrdreg s2  }
0xb0: {  	[dreg:$0x3] =	wrdreg s24  }
0xb1: {  	[dreg:$0x4] =	wrdreg s18  }
0xb2: {  	[dreg:$0x5] =	wrdreg $0x0  }
0xb3: {  	[dreg:$0x6] =	wrdreg $0x9  }
0xb4: {  	_ =	task.clear_ibuf [dreg:s8], $0x7FFFF;
	_ =	strace $0x90000046  }
0xb5: {  	s29 =	simm.s32 $0x9;
	_ =	strace $0x80000048  }
0xb6: {  	_ =	swait.ge [sflag:s29], $0x1  }
0xb7: {  	[sflag:s29] =	ssyncadd.s32 $0xFFFFFFFF  }
0xb8: {  	_ =	strace $0x90000048  }
0xb9: {  	_ =	sfence  }
0xba: {  	s30 =	sld [smem:$0x0];
	_ =	sdelay $0x2  }
0xbb: {  	s31 =	sshll.u32 s1, $0xD;
	s1 =	sshrl.u32 s1, $0x2  }
0xbc: {  	s3 =	sand.u32 $0x4000, s31;
	s1 =	sadd.s32 s1, s30  }
0xbd: {  	s0 =	sor.u32 s3, s0;
	s1 =	sshll.u32 s1, $0x11  }
0xbe: {  	s0 =	sor.u32 s1, s0  }
0xbf: {  	s0 =	sadd.s32 $0x8F2B, s0  }
0xc0: {  	[sflag:s0] =	ssyncadd.remote.s32 $0x1  }
0xc1: {  	_ =	sfence.sel $0xFFFF  }
0xc2: {  	[dreg:$0x0] =	wrdreg $0xFFFFFFFF;
	(pc) =	sbr.abs _section_cstart, $3  }
0xc3: {  	[dreg:$0x1] =	wrdreg $0xFFFFFFFF  }
0xc4: {  	_ =	task.clear_ibuf [dreg:s8], $0x2FFFF;
	_ =	strace $0x9FFFFFFF  }
0xc5: {  	(tm) =	ssettm $0x7FFFFFFF  }
tec
execute0_lowered:
.L_overlay_start_1:
0x0: {  	(tag) =	ssettag $0x1  }
0x1: {  	s1 =	rddreg [dreg:$0x0]  }
0x2: {  	s0 =	rddreg [dreg:$0x1]  }
0x3: {  	s2 =	rddreg [dreg:$0x2]  }
0x4: {  	s3 =	rddreg [dreg:$0x3]  }
0x5: {  	s4 =	srdreg.scid;
	s5 =	simm.s32 $0x0;
	s16 =	simm.s32 $0x14000  }
0x6: {  	s17 =	simm.s32 $0x6;
	s19 =	simm.s32 $0x16F80;
	s20 =	simm.s32 $0x80  }
0x7: {  	s21 =	simm.s32 $0x17100;
	s22 =	simm.s32 $0x17000;
	s24 =	simm.s32 $0x1B100  }
0x8: {  	s25 =	simm.s32 $0x1;
	s28 =	simm.s32 $0x2;
	s6 =	sand.u32 $0x1, s4  }
0x9: {  	s29 =	simm.s32 $0x4;
	s4 =	stileid.u32;
	s7 =	smul.u32 $0x138800, s6  }
0xa: {  	s8 =	sshll.u32 s6, $0x4;
	s10 =	ssub.s32 $0x2, s6;
	s6 =	smul.u32 $0x27100, s6  }
0xb: {  	s23 =	simm.s32 $0x1F100;
	[smem:$0x7FF] =	sst s5;
	s12 =	smul.u32 $0x2710, s4  }
0xc: {  	s9 =	sshll.u32 s4, $0xB;
	_ =	strace $0x80000047;
	s26 =	smul.u32 $0x50000, s4  }
0xd: {  	s8 =	sor.u32 s4, s8;
	s11 =	sshrl.u32 s10, $0x1;
	s15 =	sadd.s32 s9, s3  }
0xe: {  	s7 =	sadd.s32 s9, s7;
	s8 =	smul.u32 $0x2710, s8;
	s6 =	sadd.s32 s12, s6  }
0xf: {  	s10 =	ssub.s32 s10, s11;
	s7 =	sshrl.u32 s7, $0x3;
	s31 =	sadd.s32 $0x180, s6  }
0x10: {  	s10 =	smax.u32 s10, $0x1;
	s13 =	sadd.s32 $0x100, s6;
	s8 =	sshrl.u32 s8, $0x3  }
0x11: {  	s7 =	sadd.s32 s7, s0;
	[dreg:$0x9] =	wrdreg s10;
	s0 =	sadd.s32 s0, s8  }
0x12: {  	s6 =	simm.s32 $0x0;
	s8 =	sadd.s32 s2, s8;
	[dreg:$0x5] =	wrdreg s0  }
0x13: {  	s14 =	sadd.s32 $0x9E00, s7;
	s30 =	sadd.s32 $0x10, s8;
	[dreg:$0x6] =	wrdreg s8  }
0x14: {  	s8 =	sadd.s32 $0x4E0, s8;
	s0 =	sshrl.u32 s26, $0x2;
	[dreg:$0x7] =	wrdreg s30  }
0x15: {  	s26 =	simm.s32 $0x3;
	[dreg:$0x8] =	wrdreg s8;
	s8 =	sshrl.u32 s31, $0x3  }
0x16: {  	v0 =	vimm.f32 $0.0e+00;
	s11 =	sadd.s32 s0, s3;
	s0 =	simm.s32 $0x5;
	s12 =	sadd.s32 s8, s2  }
.LBB2_1:
0x17: {  	s7 =	simm.s32 $0x0;
	s8 =	simm.s32 $0x0  }
.LBB2_2:
0x18: {  	p0 =	sne.s32 s8, $0x1FC0  }
.Ltmp0:
0x19: {  	_ = 	snop;
	(pc) =	sbr.rel @p0 .LBB2_2-.Ltmp0, $4  }
0x1a: {  	s9 =	sand.u32 $0x1E00, s8  }
0x1b: {  	s10 =	sand.u32 $0x70, s7;
	s9 =	sshrl.u32 s9, $0x2  }
0x1c: {  	s9 =	sor.u32 s10, s9  }
0x1d: {  	s7 =	sadd.s32 $0x10, s7;
	s8 =	sadd.s32 $0x40, s8;
	[tilespmem:s9+$0x14000] =	vst v0  }
0x1e: {  	s7 =	sadd.s32 $0x0, s11  }
0x1f: {  	[spmem:s7] =	stream.linear.scatter [tilespmem:s16], [sflag:$0x6], $0x800, $0x38;
	[tilespmem:$0x1F900] =	vst v63  }
0x20: {  	s8 =	simm.s32 $0x2000;
	_ =	swait.ge [sflag:s17], $0x800  }
.LBB2_4:
0x21: {  	s7 =	sshra.s32 s8, $0x2;
	[sflag:s17] =	ssyncset.done $0x0;
	p0 =	sne.s32 s8, $0x4E000  }
.Ltmp1:
0x22: {  	s7 =	sadd.s32 s7, s11;
	[sflag:s17] =	ssyncadd.s32 $0xFFFFF800;
	(pc) =	sbr.rel @p0 .LBB2_4-.Ltmp1, $3  }
0x23: {  	[spmem:s7] =	stream.linear.scatter [tilespmem:s16], [sflag:$0x6], $0x800, $0x38;
	[tilespmem:$0x1F900] =	vst v63  }
0x24: {  	s8 =	sadd.s32 $0x2000, s8;
	_ =	sdelay $0x1  }
0x25: {  	_ =	swait.ge [sflag:s17], $0x800  }
0x26: {  	[sflag:s17] =	ssyncset.done $0x0;
	s7 =	simm.s32 $0x0  }
0x27: {  	s8 =	rddreg [dreg:$0x5];
	s9 =	simm.s32 $0x14800;
	[sflag:s17] =	ssyncadd.s32 $0xFFFFF800  }
0x28: {  	[tilespmem:s9], [sflag:$0x6] =	stream.linear.gather [hbm4b:s8+s7], $0x2710, $0x38;
	[tilespmem:$0x1F900] =	vst v63  }
0x29: {  	_ =	swait.ge [sflag:s17], $0x2710  }
0x2a: {  	[sflag:s17] =	ssyncset.done $0x0  }
0x2b: {  	[sflag:s17] =	ssyncadd.s32 $0xFFFFD8F0  }
0x2c: {  	[bflag:$0x0] =	sbarrier.arrive $0xFFFF  }
0x2d: {  	s31 =	rddreg [dreg:$0x6]  }
0x2e: {  	[tilespmem:s19], [sflag:$0x1] =	stream.linear.gather [hbm4b:s31+s7], $0x80, $0x38;
	[tilespmem:$0x1F900] =	vst v63  }
0x2f: {  	_ = 	snop  }
0x30: {  	[tilespmem:s21], [sflag:$0x3] =	stream.indirect.gather [hbm4b:s1+s20], $0x80, s9, s20, $0xb8;
	[tilespmem:$0x1F900] =	vst v63  }
0x31: {  	s9 =	rddreg [dreg:$0x7]  }
0x32: {  	[tilespmem:s22], [sflag:$0x2] =	stream.linear.gather [hbm4b:s9+s7], $0x80, $0x38;
	[tilespmem:$0x1F900] =	vst v63  }
0x33: {  	s10 =	simm.s32 $0x14880  }
0x34: {  	[tilespmem:s24], [sflag:$0x4] =	stream.indirect.gather [hbm4b:s1+s20], $0x80, s10, s20, $0xb8;
	[tilespmem:$0x1F900] =	vst v63  }
0x35: {  	_ =	swait.ge [sflag:s25], $0x80  }
0x36: {  	[sflag:s25] =	ssyncset.done $0x0  }
0x37: {  	[sflag:s25] =	ssyncadd.s32 $0xFFFFFF80  }
0x38: {  	_ =	swait.ge [sflag:s26], $0x4000  }
0x39: {  	[sflag:s26] =	ssyncset.done $0x0  }
0x3a: {  	[sflag:s26] =	ssyncadd.s32 $0xFFFFC000  }
0x3b: {  	[spmem:s3] =	stream.indirect.scatter.add.f32 [tilespmem:s21], [sflag:$0x6], $0x80, s19, s20, $0xb8;
	[tilespmem:$0x1F900] =	vst v63  }
0x3c: {  	_ =	swait.ge [sflag:s17], $0x4000  }
0x3d: {  	s18 =	sshrl.u32 s13, $0x3;
	[sflag:s17] =	ssyncset.done $0x0  }
0x3e: {  	s7 =	sadd.s32 s2, s18;
	[sflag:s17] =	ssyncadd.s32 $0xFFFFC000  }
0x3f: {  	[tilespmem:s19], [sflag:$0x1] =	stream.linear.gather [hbm4b:s7+s5], $0x80, $0x38;
	[tilespmem:$0x1F900] =	vst v63  }
0x40: {  	s30 =	simm.s32 $0x14900  }
0x41: {  	[tilespmem:s21], [sflag:$0x3] =	stream.indirect.gather [hbm4b:s1+s20], $0x80, s30, s20, $0xb8;
	[tilespmem:$0x1F900] =	vst v63  }
0x42: {  	_ =	swait.ge [sflag:s28], $0x80  }
0x43: {  	[sflag:s28] =	ssyncset.done $0x0  }
0x44: {  	[sflag:s28] =	ssyncadd.s32 $0xFFFFFF80  }
0x45: {  	_ =	swait.ge [sflag:s29], $0x4000  }
0x46: {  	[sflag:s29] =	ssyncset.done $0x0  }
0x47: {  	[sflag:s29] =	ssyncadd.s32 $0xFFFFC000  }
0x48: {  	[spmem:s3] =	stream.indirect.scatter.add.f32 [tilespmem:s24], [sflag:$0x6], $0x80, s22, s20, $0xb8;
	[tilespmem:$0x1F900] =	vst v63  }
0x49: {  	s8 =	simm.s32 $0x14980;
	_ =	swait.ge [sflag:s17], $0x4000  }
0x4a: {  	s31 =	sadd.s32 $0x0, s12;
	s9 =	simm.s32 $0x20;
	[sflag:s17] =	ssyncset.done $0x0  }
0x4b: {  	s18 =	sadd.s32 $0x100, s13;
	s10 =	simm.s32 $0x14A80;
	[sflag:s17] =	ssyncadd.s32 $0xFFFFC000  }
0x4c: {  	[tilespmem:s22], [sflag:$0x2] =	stream.linear.gather [hbm4b:s31+s5], $0x80, $0x38;
	[tilespmem:$0x1F900] =	vst v63  }
.LBB2_6:
0x4d: {  	[tilespmem:s24], [sflag:$0x4] =	stream.indirect.gather [hbm4b:s1+s20], $0x80, s8, s20, $0xb8;
	[tilespmem:$0x1F900] =	vst v63  }
0x4e: {  	s7 =	smov.u32 s9;
	s8 =	smov.u32 s10  }
0x4f: {  	p0 =	sne.s32 s9, $0x4A0;
	s9 =	sadd.s32 $0x20, s9;
	_ =	swait.ge [sflag:s25], $0x80  }
0x50: {  	[sflag:s25] =	ssyncset.done $0x0  }
0x51: {  	[sflag:s25] =	ssyncadd.s32 $0xFFFFFF80  }
0x52: {  	_ =	swait.ge [sflag:s26], $0x4000  }
0x53: {  	[sflag:s26] =	ssyncset.done $0x0  }
0x54: {  	[sflag:s26] =	ssyncadd.s32 $0xFFFFC000  }
0x55: {  	[spmem:s3] =	stream.indirect.scatter.add.f32 [tilespmem:s21], [sflag:$0x6], $0x80, s19, s20, $0xb8;
	[tilespmem:$0x1F900] =	vst v63  }
0x56: {  	_ =	swait.ge [sflag:s17], $0x4000  }
0x57: {  	s30 =	sshrl.u32 s18, $0x3;
	[sflag:s17] =	ssyncset.done $0x0  }
0x58: {  	s30 =	sadd.s32 s2, s30;
	[sflag:s17] =	ssyncadd.s32 $0xFFFFC000  }
0x59: {  	[tilespmem:s19], [sflag:$0x1] =	stream.linear.gather [hbm4b:s30+s5], $0x80, $0x38;
	[tilespmem:$0x1F900] =	vst v63  }
0x5a: {  	s30 =	sadd.s32 $0xFFFFFF80, s10  }
0x5b: {  	[tilespmem:s21], [sflag:$0x3] =	stream.indirect.gather [hbm4b:s1+s20], $0x80, s30, s20, $0xb8;
	[tilespmem:$0x1F900] =	vst v63  }
0x5c: {  	_ =	swait.ge [sflag:s28], $0x80  }
0x5d: {  	[sflag:s28] =	ssyncset.done $0x0  }
0x5e: {  	[sflag:s28] =	ssyncadd.s32 $0xFFFFFF80  }
0x5f: {  	_ =	swait.ge [sflag:s29], $0x4000  }
0x60: {  	[sflag:s29] =	ssyncset.done $0x0  }
0x61: {  	[sflag:s29] =	ssyncadd.s32 $0xFFFFC000  }
0x62: {  	[spmem:s3] =	stream.indirect.scatter.add.f32 [tilespmem:s24], [sflag:$0x6], $0x80, s22, s20, $0xb8;
	[tilespmem:$0x1F900] =	vst v63  }
.Ltmp2:
0x63: {  	_ =	swait.ge [sflag:s17], $0x4000;
	(pc) =	sbr.rel @p0 .LBB2_6-.Ltmp2, $4  }
0x64: {  	[sflag:s17] =	ssyncset.done $0x0  }
0x65: {  	s7 =	sadd.s32 s7, s12;
	[sflag:s17] =	ssyncadd.s32 $0xFFFFC000  }
0x66: {  	[tilespmem:s22], [sflag:$0x2] =	stream.linear.gather [hbm4b:s7+s5], $0x80, $0x38;
	[tilespmem:$0x1F900] =	vst v63  }
0x67: {  	s18 =	sadd.s32 $0x100, s18;
	s10 =	sadd.s32 $0x100, s10  }
0x68: {  	[tilespmem:s24], [sflag:$0x4] =	stream.indirect.gather [hbm4b:s1+s20], $0x80, s8, s20, $0xb8;
	[tilespmem:$0x1F900] =	vst v63  }
0x69: {  	_ =	swait.ge [sflag:s25], $0x80  }
0x6a: {  	[sflag:s25] =	ssyncset.done $0x0  }
0x6b: {  	[sflag:s25] =	ssyncadd.s32 $0xFFFFFF80  }
0x6c: {  	_ =	swait.ge [sflag:s26], $0x4000  }
0x6d: {  	[sflag:s26] =	ssyncset.done $0x0  }
0x6e: {  	[sflag:s26] =	ssyncadd.s32 $0xFFFFC000  }
0x6f: {  	[spmem:s3] =	stream.indirect.scatter.add.f32 [tilespmem:s21], [sflag:$0x6], $0x80, s19, s20, $0xb8;
	[tilespmem:$0x1F900] =	vst v63  }
0x70: {  	_ =	swait.ge [sflag:s17], $0x4000  }
0x71: {  	[sflag:s17] =	ssyncset.done $0x0  }
0x72: {  	[sflag:s17] =	ssyncadd.s32 $0xFFFFC000  }
0x73: {  	_ =	swait.ge [sflag:s28], $0x80  }
0x74: {  	[sflag:s28] =	ssyncset.done $0x0  }
0x75: {  	[sflag:s28] =	ssyncadd.s32 $0xFFFFFF80  }
0x76: {  	_ =	swait.ge [sflag:s29], $0x4000  }
0x77: {  	[sflag:s29] =	ssyncset.done $0x0  }
0x78: {  	[sflag:s29] =	ssyncadd.s32 $0xFFFFC000  }
0x79: {  	[spmem:s3] =	stream.indirect.scatter.add.f32 [tilespmem:s24], [sflag:$0x6], $0x80, s22, s20, $0xb8;
	[tilespmem:$0x1F900] =	vst v63  }
0x7a: {  	_ =	swait.ge [sflag:s17], $0x4000  }
0x7b: {  	s7 =	simm.s32 $0x0;
	[sflag:s17] =	ssyncset.done $0x0  }
0x7c: {  	s9 =	simm.s32 $0x17080;
	s10 =	rddreg [dreg:$0x8];
	[sflag:s17] =	ssyncadd.s32 $0xFFFFC000  }
0x7d: {  	[tilespmem:s9], [sflag:$0x6] =	stream.linear.gather [hbm4b:s10+s7], $0x10, $0x38;
	[tilespmem:$0x1F900] =	vst v63  }
0x7e: {  	_ =	swait.ge [sflag:s17], $0x10  }
0x7f: {  	[sflag:s17] =	ssyncset.done $0x0  }
0x80: {  	s18 =	simm.s32 $0x10;
	s30 =	simm.s32 $0x16F00;
	[sflag:s17] =	ssyncadd.s32 $0xFFFFFFF0  }
0x81: {  	[tilespmem:s23], [sflag:$0x5] =	stream.indirect.gather [hbm4b:s1+s18], $0x80, s30, s18, $0xb8;
	[tilespmem:$0x1F900] =	vst v63  }
0x82: {  	_ =	swait.ge [sflag:s0], $0x800  }
0x83: {  	[sflag:s0] =	ssyncset.done $0x0  }
0x84: {  	[sflag:s0] =	ssyncadd.s32 $0xFFFFF800  }
0x85: {  	[spmem:s3] =	stream.indirect.scatter.add.f32 [tilespmem:s23], [sflag:$0x6], $0x80, s9, s18, $0xb8;
	[tilespmem:$0x1F900] =	vst v63  }
0x86: {  	s31 =	sadd.s32 $0x0, s4;
	_ =	swait.ge [sflag:s17], $0x800  }
0x87: {  	p0 =	sgt.u32 s31, $0x270;
	[sflag:s17] =	ssyncset.done $0x0  }
0x88: {  	s8 =	sshrl.u32 @!p0 s15, $0x3;
	s7 =	sshll.u32 @!p0 s4, $0x6;
	[sflag:s17] =	ssyncadd.s32 $0xFFFFF800  }
0x89: {  	s7 =	sor.u32 @!p0 $0x1C06, s7;
	s18 =	simm.s32 @!p0 $0x6;
	[bflag:$0x0] =	sbarrier.arrive $0xFFFF  }
0x8a: {  	[hbm:s14], [sflag:s7] =	dma.local @!p0 [spmem:s8], $0x100  }
0x8b: {  	s10 =	simm.s32 $0x20;
	s9 =	sadd.s32 $0x1000, s14;
	_ =	swait.ge @!p0 [sflag:s18], $0x100  }
0x8c: {  	s8 =	sadd.s32 $0x8000, s15;
	s7 =	sadd.s32 $0x10, s4;
	[sflag:s18] =	ssyncset.done @!p0 $0x0  }
.LBB2_8:
0x8d: {  	[sflag:s18] =	ssyncadd.s32 @!p0 $0xFFFFFF00  }
0x8e: {  	p0 =	sgt.u32 s7, $0x270;
	s7 =	smov.u32 s10;
	s10 =	sadd.s32 $0x10, s10  }
0x8f: {  	p1 =	sne.s32 s10, $0x280  }
.Ltmp3:
0x90: {  	s18 =	sshll.u32 @!p0 s4, $0x6;
	s30 =	sshrl.u32 @!p0 s8, $0x3;
	(pc) =	sbr.rel @p1 .LBB2_8-.Ltmp3, $4  }
0x91: {  	s31 =	sor.u32 @!p0 $0x1C06, s18;
	s18 =	simm.s32 @!p0 $0x6  }
0x92: {  	[hbm:s9], [sflag:s31] =	dma.local @!p0 [spmem:s30], $0x100  }
0x93: {  	s8 =	sadd.s32 $0x8000, s8;
	_ =	swait.ge @!p0 [sflag:s18], $0x100  }
0x94: {  	s7 =	sadd.s32 s7, s4;
	s9 =	sadd.s32 $0x1000, s9;
	[sflag:s18] =	ssyncset.done @!p0 $0x0  }
0x95: {  	p1 =	sgt.u32 s7, $0x270  }
0x96: {  	[sflag:s18] =	ssyncadd.s32 @!p0 $0xFFFFFF00;
	s7 =	sshll.u32 @!p1 s4, $0x6  }
0x97: {  	s8 =	sshrl.u32 @!p1 s8, $0x3;
	s10 =	simm.s32 @!p1 $0x6;
	s7 =	sor.u32 @!p1 $0x1C06, s7  }
0x98: {  	[hbm:s9], [sflag:s7] =	dma.local @!p1 [spmem:s8], $0x100  }
0x99: {  	_ =	swait.ge @!p1 [sflag:s10], $0x100  }
0x9a: {  	s6 =	sadd.s32 $0x1, s6;
	s31 =	rddreg [dreg:$0x9]  }
0x9b: {  	p0 =	sne.s32 s6, s31  }
.Ltmp4:
0x9c: {  	_ = 	snop;
	(pc) =	sbr.rel @p0 .LBB2_1-.Ltmp4, $3  }
0x9d: {  	_ =	sdelay $0x1  }
0x9e: {  	[sflag:s10] =	ssyncset.done @!p1 $0x0  }
0x9f: {  	[sflag:s10] =	ssyncadd.s32 @!p1 $0xFFFFFF00  }
0xa0: {  	_ =	sfence.sel $0x180000  }
0xa1: {  	[bflag:$0x0] =	sbarrier.arrive $0xFFFF  }
0xa2: {  	_ =	strace $0x90000047  }
0xa3: {  	[bflag:$0x2] =	sbarrier.arrive $0xFFFF  }
0xa4: {  	p0 =	sne.s32 s4, $0x0;
	s0 =	rddreg [dreg:$0x4]  }
0xa5: {  	s0 =	sadd.s32 @!p0 $0x100000, s0  }
0xa6: {  	[sflag:s0] =	ssyncadd.tile.s32 @!p0 $0x1;
	_ =	shalt  }
.Lfunc_end2:
_tile_overlayer_lowered:
.L_overlay_start_2:
0xa7: {  	(tag) =	ssettag $0x2  }
0xa8: {  	s0 =	rddreg [dreg:$0x0];
	s2 =	stileid.u32  }
0xa9: {  	s1 =	rddreg [dreg:$0x1];
	p0 =	sne.s32 s2, $0x0  }
0xaa: {  	s3 =	rddreg [dreg:$0x2];
	[bflag:$0x3] =	sbarrier.arrive $0xFFFF;
	s2 =	simm.s32 @!p0 $0x1C06  }
0xab: {  	[timem:s3], [sflag:s2] =	dma.local @!p0 [hbm:s0], s1  }
0xac: {  	s0 =	simm.s32 @!p0 $0x6  }
0xad: {  	_ =	swait.ge @!p0 [sflag:s0], s1  }
0xae: {  	s1 =	ssub.s32 @!p0 $0x0, s1;
	[sflag:s0] =	ssyncset.done @!p0 $0x0  }
0xaf: {  	[sflag:s0] =	ssyncadd.s32 @!p0 s1  }
0xb0: {  	[bflag:$0x3] =	sbarrier.arrive $0xFFFF  }
0xb1: {  	_ =	shalt  }

</sc_bundles>
